<compile_context>
chip_gen: v7x
topology: tpu7x:2x2x1
jax: 0.10.2.dev20260603
libtpu: 0.0.44.dev20260713+nightly
codegen_flags: <defaults>
</compile_context>

<pallas_src>
import functools
import math

import jax
import jax.numpy as jnp
from jax import lax
from jax.experimental import pallas as pl
from jax.experimental.pallas import tpu as pltpu
from jax.experimental.pallas import tpu_sc as plsc

VOCAB_N = 100000
EMB_N = 128
NODES_N = 200
BATCH_N = 1024
SEQ_N = 200
SCALE = math.sqrt(EMB_N)

TB = 8192
G_BLOCKS = 13
F_BASE = G_BLOCKS * TB
T_BLOCKS = 17
T_ROWS = T_BLOCKS * TB

NTOK = BATCH_N * SEQ_N
NW = 32
PER_W = NTOK // NW
CH = 128
NCHUNK = PER_W // CH


FB = BATCH_N // 8


def _build_table_body(emb_ref, edge_ref, num_ref, tok_ref, out_ref, fidx_ref):
    b = pl.program_id(0)

    @pl.when(b < G_BLOCKS)
    def _():
        out_ref[...] = emb_ref[...] * SCALE + num_ref[0:1, :] * SCALE

    @pl.when(b >= G_BLOCKS)
    def _():
        edge_s = (edge_ref[...] * SCALE)[None, :, :]
        num_s = num_ref[...] * SCALE
        f3a = edge_s + num_s[0:32][:, None, :]
        f3b = edge_s + num_s[32:64][:, None, :]
        out_ref[0 : TB // 2, :] = f3a.reshape(TB // 2, EMB_N)
        out_ref[TB // 2 : TB, :] = f3b.reshape(TB // 2, EMB_N)

    @pl.when(b < 8)
    def _():
        t = tok_ref[...]
        ni_mask = (t >= 10) & (t < 40)
        edge = (t >= 10) & (t < 110)
        eos = t == 2
        ni = jnp.where(eos, -100000.0, jnp.where(ni_mask, 1.0, 0.0)).astype(jnp.float32)
        row = lax.broadcasted_iota(jnp.int32, (SEQ_N, SEQ_N), 0)
        col = lax.broadcasted_iota(jnp.int32, (SEQ_N, SEQ_N), 1)
        tri = (row <= col).astype(jnp.float32)
        cur = jnp.dot(ni, tri, preferred_element_type=jnp.float32).astype(jnp.int32)
        cur = jnp.where(cur < 0, 0, cur)
        cur = jnp.where(cur > NODES_N + 1, 0, cur)
        fidx_ref[...] = jnp.where(edge, F_BASE + cur * 128 + t, t)


def _build_table_and_fidx(embedding, embedding_numnode, token_sequences):
    return pl.pallas_call(
        _build_table_body,
        grid=(T_BLOCKS,),
        in_specs=[
            pl.BlockSpec((TB, EMB_N), lambda b: (jnp.minimum(b, G_BLOCKS - 1), 0)),
            pl.BlockSpec((128, EMB_N), lambda b: (0, 0)),
            pl.BlockSpec((64, EMB_N), lambda b: (jnp.where(b < G_BLOCKS, 0, b - G_BLOCKS), 0)),
            pl.BlockSpec((FB, SEQ_N), lambda b: (jnp.minimum(b, 7), 0)),
        ],
        out_specs=[
            pl.BlockSpec((TB, EMB_N), lambda b: (b, 0)),
            pl.BlockSpec((FB, SEQ_N), lambda b: (jnp.minimum(b, 7), 0)),
        ],
        out_shape=[
            jax.ShapeDtypeStruct((T_ROWS, EMB_N), jnp.float32),
            jax.ShapeDtypeStruct((BATCH_N, SEQ_N), jnp.int32),
        ],
    )(embedding, embedding, embedding_numnode, token_sequences)


NBUF = 5


def _sc_gather_body(t_hbm, idx_hbm, out_hbm, idx_v, *bufs_and_sems):
    rows = bufs_and_sems[:NBUF]
    gsem = bufs_and_sems[NBUF : 2 * NBUF]
    wsem = bufs_and_sems[2 * NBUF : 3 * NBUF]
    wid = lax.axis_index("s") * 2 + lax.axis_index("c")
    base = wid * PER_W
    pltpu.sync_copy(idx_hbm.at[pl.ds(base, PER_W)], idx_v)

    def _gather_copy(ci, b):
        return pltpu.make_async_copy(
            t_hbm.at[idx_v.at[pl.ds(ci * CH, CH)]], rows[b], gsem[b]
        )

    def _flush_copy(ci, b):
        return pltpu.make_async_copy(
            rows[b], out_hbm.at[pl.ds(base + ci * CH, CH)], wsem[b]
        )

    for b in range(NBUF):
        _gather_copy(b, b).start()

    @pl.loop(0, NCHUNK, step=NBUF)
    def _(ci):
        for b in range(NBUF):
            c = ci + b
            _gather_copy(c, b).wait()
            _flush_copy(c, b).start()
        for b in range(NBUF):
            c = ci + b

            @pl.when(c + NBUF < NCHUNK)
            def _():
                _flush_copy(c, b).wait()
                _gather_copy(c + NBUF, b).start()

    for b in range(NBUF):
        _flush_copy(NCHUNK - NBUF + b, b).wait()


@functools.lru_cache(maxsize=1)
def _get_sc_gather():
    mesh = plsc.VectorSubcoreMesh(
        core_axis_name="c", subcore_axis_name="s", num_cores=2, num_subcores=16
    )
    return pl.kernel(
        _sc_gather_body,
        out_type=jax.ShapeDtypeStruct((NTOK, EMB_N), jnp.float32),
        mesh=mesh,
        scratch_types=(
            [pltpu.VMEM((PER_W,), jnp.int32)]
            + [pltpu.VMEM((CH, EMB_N), jnp.float32)] * NBUF
            + [pltpu.SemaphoreType.DMA] * (2 * NBUF)
        ),
    )


def kernel(token_sequences, embedding, embedding_numnode):
    table, fidx = _build_table_and_fidx(embedding, embedding_numnode, token_sequences)
    out = _get_sc_gather()(table, fidx.reshape(NTOK))
    return out.reshape(BATCH_N, SEQ_N, EMB_N)

# --- scband reference (transcript-rebuilt; emitter-appended) ---
"""Pipeline reference for scband-token-embedding-16716012716190 (READ-ONLY COPY).

The authoritative reference and input builder live on the scoring server;
editing this copy changes nothing except your own understanding.
"""

import jax, jax.numpy as jnp
import numpy as np
import math

VOCAB = 100000
EMB = 128
NUM_NODES = 200
BATCH = 1024
SEQ = 200
# Synthetic TOKEN2ID-derived index sets (tuple-keyed edge tokens in the original vocab mapping)
EDGE_INDICES = np.arange(10, 110, dtype=np.int32)      # all edge-token ids
EDGE_INDICES_NI = np.arange(10, 40, dtype=np.int32)    # edge tokens whose key starts with 1 (new-node indicator)


def setup_inputs(seed: int = 0) -> dict:
    key = jax.random.key(seed)
    k1, k2, k3 = jax.random.split(key, 3)
    token_sequences = jax.random.randint(k1, (BATCH, SEQ), 0, VOCAB, dtype=jnp.int32)
    embedding = jax.random.normal(k2, (VOCAB, EMB), dtype=jnp.float32) * 0.02
    embedding_numnode = jax.random.normal(k3, (NUM_NODES + 3, EMB), dtype=jnp.float32) * 0.02
    return {
        "token_sequences": token_sequences,
        "embedding": embedding,
        "embedding_numnode": embedding_numnode,
    }


def reference(token_sequences, embedding, embedding_numnode):
    scale = math.sqrt(EMB)
    # x = self.embedding(tokens) * sqrt(emb_size)
    x = jnp.take(embedding, token_sequences, axis=0) * scale
    # string_type == 'adj_list_diff_ni' branch
    edge_ni = jnp.asarray(EDGE_INDICES_NI)
    edge_all = jnp.asarray(EDGE_INDICES)
    ni_mask = jnp.isin(token_sequences, edge_ni)
    edge_mask = jnp.isin(token_sequences, edge_all)
    eos_mask = token_sequences == 2
    ni = jnp.where(ni_mask, 1, 0).astype(jnp.int32)
    # masked_fill_(~ni_mask, 0) already handled by where above
    ni = jnp.where(eos_mask, -100000, ni)
    current_node = jnp.cumsum(ni, axis=1)
    current_node = jnp.where(current_node < 0, 0, current_node)
    current_node = jnp.where(current_node > NUM_NODES + 1, 0, current_node)
    current_node = jnp.where(~edge_mask, 0, current_node)
    node_pe = jnp.take(embedding_numnode, current_node, axis=0) * scale
    x = x + node_pe
    return x


if False:  # reference __main__ guard neutralized (emitter)
    out = reference(**setup_inputs())
    print(out.shape, out.dtype)

if __name__ == "__main__":
    import jax
    _d = setup_inputs()
    print(jax.jit(kernel)(*tuple(_d.values())))

</pallas_src>

<mosaic_0001>
#map = affine_map<(d0, d1) -> (0, 0)>
#map1 = affine_map<(d0, d1) -> (0)>
module attributes {stable_mosaic.version = 14 : i64} {
  func.func @_sc_gather_body(%arg0: i32, %arg1: i32, %arg2: memref<139264x128xf32, #tpu.memory_space<hbm>>, %arg3: memref<204800xi32, #tpu.memory_space<hbm>>, %arg4: memref<204800x128xf32, #tpu.memory_space<hbm>>, %arg5: memref<6400xi32, #tpu.memory_space<vmem>>, %arg6: memref<128x128xf32, #tpu.memory_space<vmem>>, %arg7: memref<128x128xf32, #tpu.memory_space<vmem>>, %arg8: memref<128x128xf32, #tpu.memory_space<vmem>>, %arg9: memref<128x128xf32, #tpu.memory_space<vmem>>, %arg10: memref<128x128xf32, #tpu.memory_space<vmem>>, %arg11: memref<!tpu.dma_semaphore, #tpu.memory_space<semaphore_mem>>, %arg12: memref<!tpu.dma_semaphore, #tpu.memory_space<semaphore_mem>>, %arg13: memref<!tpu.dma_semaphore, #tpu.memory_space<semaphore_mem>>, %arg14: memref<!tpu.dma_semaphore, #tpu.memory_space<semaphore_mem>>, %arg15: memref<!tpu.dma_semaphore, #tpu.memory_space<semaphore_mem>>, %arg16: memref<!tpu.dma_semaphore, #tpu.memory_space<semaphore_mem>>, %arg17: memref<!tpu.dma_semaphore, #tpu.memory_space<semaphore_mem>>, %arg18: memref<!tpu.dma_semaphore, #tpu.memory_space<semaphore_mem>>, %arg19: memref<!tpu.dma_semaphore, #tpu.memory_space<semaphore_mem>>, %arg20: memref<!tpu.dma_semaphore, #tpu.memory_space<semaphore_mem>>) attributes {dimension_semantics = [#tpu.dimension_semantics<core_parallel>, #tpu.dimension_semantics<subcore_parallel>], iteration_bounds = array<i64: 2, 16>, scalar_prefetch = 0 : i64, scratch_operands = 16 : i64, tpu.core_type = #tpu.core_type<sc_vector_subcore>, window_params = [{transform_indices = #map}, {transform_indices = #map1}, {transform_indices = #map}]} {
    %mul3A = arith.constant 2 : i32
    %mul3A_0 = arith.muli %arg1, %mul3A : i32
    %add3A = arith.addi %mul3A_0, %arg0 : i32
    %mul3A_1 = arith.constant 6400 : i32
    %mul3A_2 = arith.muli %add3A, %mul3A_1 : i32
    "tpu.region"() ({
      %run_scoped3A = tpu.sem_alloc : memref<!tpu.dma_semaphore, #tpu.memory_space<semaphore_mem>>
      %dma_start3A_60 = tpu.memref_slice %arg3[%mul3A_2] : memref<204800xi32, #tpu.memory_space<hbm>> -> memref<6400xi32, #tpu.memory_space<hbm>>
      %dma_start3A_61 = tpu.memref_slice %arg3[%mul3A_2] : memref<204800xi32, #tpu.memory_space<hbm>> -> memref<6400xi32, #tpu.memory_space<hbm>>
      tpu.enqueue_dma source(%dma_start3A_61 : memref<6400xi32, #tpu.memory_space<hbm>>) target(%arg5 : memref<6400xi32, #tpu.memory_space<vmem>>) target_semaphore(%run_scoped3A : memref<!tpu.dma_semaphore, #tpu.memory_space<semaphore_mem>>)
      %dma_wait3A_62 = tpu.memref_slice %arg3[%mul3A_2] : memref<204800xi32, #tpu.memory_space<hbm>> -> memref<6400xi32, #tpu.memory_space<hbm>>
      %dma_wait3A_63 = tpu.memref_slice %arg3[%mul3A_2] : memref<204800xi32, #tpu.memory_space<hbm>> -> memref<6400xi32, #tpu.memory_space<hbm>>
      tpu.wait_dma2 semaphore(%run_scoped3A : memref<!tpu.dma_semaphore, #tpu.memory_space<semaphore_mem>>) src(%dma_wait3A_63 : memref<6400xi32, #tpu.memory_space<hbm>>) dst(%arg5 : memref<6400xi32, #tpu.memory_space<vmem>>)
      tpu.yield
    }) : () -> ()
    %dma_start3A = arith.constant 0 : i32
    %dma_start3A_3 = tpu.memref_slice %arg5[%dma_start3A] : memref<6400xi32, #tpu.memory_space<vmem>> -> memref<128xi32, #tpu.memory_space<vmem>>
    %dma_start3A_4 = arith.constant 0 : i32
    %dma_start3A_5 = arith.constant 0 : i32
    %dma_start3A_6 = tpu.memref_slice %arg2[%dma_start3A_4, %dma_start3A_5] : memref<139264x128xf32, #tpu.memory_space<hbm>> -> memref<139264x128xf32, #tpu.memory_space<hbm>>
    tpu.enqueue_indirect_dma source(%dma_start3A_6 : memref<139264x128xf32, #tpu.memory_space<hbm>>) target(%arg6 : memref<128x128xf32, #tpu.memory_space<vmem>>) offsets(%dma_start3A_3 : memref<128xi32, #tpu.memory_space<vmem>>) semaphore(%arg11 : memref<!tpu.dma_semaphore, #tpu.memory_space<semaphore_mem>>)
    %dma_start3A_7 = arith.constant 128 : i32
    %dma_start3A_8 = tpu.memref_slice %arg5[%dma_start3A_7] : memref<6400xi32, #tpu.memory_space<vmem>> -> memref<128xi32, #tpu.memory_space<vmem>>
    %dma_start3A_9 = arith.constant 0 : i32
    %dma_start3A_10 = arith.constant 0 : i32
    %dma_start3A_11 = tpu.memref_slice %arg2[%dma_start3A_9, %dma_start3A_10] : memref<139264x128xf32, #tpu.memory_space<hbm>> -> memref<139264x128xf32, #tpu.memory_space<hbm>>
    tpu.enqueue_indirect_dma source(%dma_start3A_11 : memref<139264x128xf32, #tpu.memory_space<hbm>>) target(%arg7 : memref<128x128xf32, #tpu.memory_space<vmem>>) offsets(%dma_start3A_8 : memref<128xi32, #tpu.memory_space<vmem>>) semaphore(%arg12 : memref<!tpu.dma_semaphore, #tpu.memory_space<semaphore_mem>>)
    %dma_start3A_12 = arith.constant 256 : i32
    %dma_start3A_13 = tpu.memref_slice %arg5[%dma_start3A_12] : memref<6400xi32, #tpu.memory_space<vmem>> -> memref<128xi32, #tpu.memory_space<vmem>>
    %dma_start3A_14 = arith.constant 0 : i32
    %dma_start3A_15 = arith.constant 0 : i32
    %dma_start3A_16 = tpu.memref_slice %arg2[%dma_start3A_14, %dma_start3A_15] : memref<139264x128xf32, #tpu.memory_space<hbm>> -> memref<139264x128xf32, #tpu.memory_space<hbm>>
    tpu.enqueue_indirect_dma source(%dma_start3A_16 : memref<139264x128xf32, #tpu.memory_space<hbm>>) target(%arg8 : memref<128x128xf32, #tpu.memory_space<vmem>>) offsets(%dma_start3A_13 : memref<128xi32, #tpu.memory_space<vmem>>) semaphore(%arg13 : memref<!tpu.dma_semaphore, #tpu.memory_space<semaphore_mem>>)
    %dma_start3A_17 = arith.constant 384 : i32
    %dma_start3A_18 = tpu.memref_slice %arg5[%dma_start3A_17] : memref<6400xi32, #tpu.memory_space<vmem>> -> memref<128xi32, #tpu.memory_space<vmem>>
    %dma_start3A_19 = arith.constant 0 : i32
    %dma_start3A_20 = arith.constant 0 : i32
    %dma_start3A_21 = tpu.memref_slice %arg2[%dma_start3A_19, %dma_start3A_20] : memref<139264x128xf32, #tpu.memory_space<hbm>> -> memref<139264x128xf32, #tpu.memory_space<hbm>>
    tpu.enqueue_indirect_dma source(%dma_start3A_21 : memref<139264x128xf32, #tpu.memory_space<hbm>>) target(%arg9 : memref<128x128xf32, #tpu.memory_space<vmem>>) offsets(%dma_start3A_18 : memref<128xi32, #tpu.memory_space<vmem>>) semaphore(%arg14 : memref<!tpu.dma_semaphore, #tpu.memory_space<semaphore_mem>>)
    %dma_start3A_22 = arith.constant 512 : i32
    %dma_start3A_23 = tpu.memref_slice %arg5[%dma_start3A_22] : memref<6400xi32, #tpu.memory_space<vmem>> -> memref<128xi32, #tpu.memory_space<vmem>>
    %dma_start3A_24 = arith.constant 0 : i32
    %dma_start3A_25 = arith.constant 0 : i32
    %dma_start3A_26 = tpu.memref_slice %arg2[%dma_start3A_24, %dma_start3A_25] : memref<139264x128xf32, #tpu.memory_space<hbm>> -> memref<139264x128xf32, #tpu.memory_space<hbm>>
    tpu.enqueue_indirect_dma source(%dma_start3A_26 : memref<139264x128xf32, #tpu.memory_space<hbm>>) target(%arg10 : memref<128x128xf32, #tpu.memory_space<vmem>>) offsets(%dma_start3A_23 : memref<128xi32, #tpu.memory_space<vmem>>) semaphore(%arg15 : memref<!tpu.dma_semaphore, #tpu.memory_space<semaphore_mem>>)
    %scan3A = arith.constant 0 : i32
    %scan3A_27 = arith.constant 10 : i32
    %scan3A_28 = arith.addi %scan3A, %scan3A_27 : i32
    %scan3A_29 = arith.constant 1 : i32
    scf.for %scan3A_60 = %scan3A to %scan3A_28 step %scan3A_29  : i32 {
      %mul3A_61 = arith.constant 5 : i32
      %mul3A_62 = arith.muli %scan3A_60, %mul3A_61 : i32
      %add3A_63 = arith.constant 0 : i32
      %add3A_64 = arith.addi %add3A_63, %mul3A_62 : i32
      %add3A_65 = arith.constant 0 : i32
      %add3A_66 = arith.addi %add3A_64, %add3A_65 : i32
      %mul3A_67 = arith.constant 128 : i32
      %mul3A_68 = arith.muli %add3A_66, %mul3A_67 : i32
      %dma_wait3A_69 = tpu.memref_slice %arg5[%mul3A_68] : memref<6400xi32, #tpu.memory_space<vmem>> -> memref<128xi32, #tpu.memory_space<vmem>>
      %dma_wait3A_70 = arith.constant 0 : i32
      %dma_wait3A_71 = arith.constant 0 : i32
      %dma_wait3A_72 = tpu.memref_slice %arg2[%dma_wait3A_70, %dma_wait3A_71] : memref<139264x128xf32, #tpu.memory_space<hbm>> -> memref<139264x128xf32, #tpu.memory_space<hbm>>
      tpu.wait_indirect_dma semaphore(%arg11 : memref<!tpu.dma_semaphore, #tpu.memory_space<semaphore_mem>>) src(%dma_wait3A_72 : memref<139264x128xf32, #tpu.memory_space<hbm>>) dst(%arg6 : memref<128x128xf32, #tpu.memory_space<vmem>>)
      %mul3A_73 = arith.constant 128 : i32
      %mul3A_74 = arith.muli %add3A_66, %mul3A_73 : i32
      %add3A_75 = arith.addi %mul3A_2, %mul3A_74 : i32
      %dma_start3A_76 = arith.constant 0 : i32
      %dma_start3A_77 = tpu.memref_slice %arg4[%add3A_75, %dma_start3A_76] : memref<204800x128xf32, #tpu.memory_space<hbm>> -> memref<128x128xf32, #tpu.memory_space<hbm>>
      %dma_start3A_78 = arith.constant 0 : i32
      %dma_start3A_79 = tpu.memref_slice %arg4[%add3A_75, %dma_start3A_78] : memref<204800x128xf32, #tpu.memory_space<hbm>> -> memref<128x128xf32, #tpu.memory_space<hbm>>
      tpu.enqueue_dma source(%arg6 : memref<128x128xf32, #tpu.memory_space<vmem>>) target(%dma_start3A_79 : memref<128x128xf32, #tpu.memory_space<hbm>>) target_semaphore(%arg16 : memref<!tpu.dma_semaphore, #tpu.memory_space<semaphore_mem>>)
      %add3A_80 = arith.constant 1 : i32
      %add3A_81 = arith.addi %add3A_64, %add3A_80 : i32
      %mul3A_82 = arith.constant 128 : i32
      %mul3A_83 = arith.muli %add3A_81, %mul3A_82 : i32
      %dma_wait3A_84 = tpu.memref_slice %arg5[%mul3A_83] : memref<6400xi32, #tpu.memory_space<vmem>> -> memref<128xi32, #tpu.memory_space<vmem>>
      %dma_wait3A_85 = arith.constant 0 : i32
      %dma_wait3A_86 = arith.constant 0 : i32
      %dma_wait3A_87 = tpu.memref_slice %arg2[%dma_wait3A_85, %dma_wait3A_86] : memref<139264x128xf32, #tpu.memory_space<hbm>> -> memref<139264x128xf32, #tpu.memory_space<hbm>>
      tpu.wait_indirect_dma semaphore(%arg12 : memref<!tpu.dma_semaphore, #tpu.memory_space<semaphore_mem>>) src(%dma_wait3A_87 : memref<139264x128xf32, #tpu.memory_space<hbm>>) dst(%arg7 : memref<128x128xf32, #tpu.memory_space<vmem>>)
      %mul3A_88 = arith.constant 128 : i32
      %mul3A_89 = arith.muli %add3A_81, %mul3A_88 : i32
      %add3A_90 = arith.addi %mul3A_2, %mul3A_89 : i32
      %dma_start3A_91 = arith.constant 0 : i32
      %dma_start3A_92 = tpu.memref_slice %arg4[%add3A_90, %dma_start3A_91] : memref<204800x128xf32, #tpu.memory_space<hbm>> -> memref<128x128xf32, #tpu.memory_space<hbm>>
      %dma_start3A_93 = arith.constant 0 : i32
      %dma_start3A_94 = tpu.memref_slice %arg4[%add3A_90, %dma_start3A_93] : memref<204800x128xf32, #tpu.memory_space<hbm>> -> memref<128x128xf32, #tpu.memory_space<hbm>>
      tpu.enqueue_dma source(%arg7 : memref<128x128xf32, #tpu.memory_space<vmem>>) target(%dma_start3A_94 : memref<128x128xf32, #tpu.memory_space<hbm>>) target_semaphore(%arg17 : memref<!tpu.dma_semaphore, #tpu.memory_space<semaphore_mem>>)
      %add3A_95 = arith.constant 2 : i32
      %add3A_96 = arith.addi %add3A_64, %add3A_95 : i32
      %mul3A_97 = arith.constant 128 : i32
      %mul3A_98 = arith.muli %add3A_96, %mul3A_97 : i32
      %dma_wait3A_99 = tpu.memref_slice %arg5[%mul3A_98] : memref<6400xi32, #tpu.memory_space<vmem>> -> memref<128xi32, #tpu.memory_space<vmem>>
      %dma_wait3A_100 = arith.constant 0 : i32
      %dma_wait3A_101 = arith.constant 0 : i32
      %dma_wait3A_102 = tpu.memref_slice %arg2[%dma_wait3A_100, %dma_wait3A_101] : memref<139264x128xf32, #tpu.memory_space<hbm>> -> memref<139264x128xf32, #tpu.memory_space<hbm>>
      tpu.wait_indirect_dma semaphore(%arg13 : memref<!tpu.dma_semaphore, #tpu.memory_space<semaphore_mem>>) src(%dma_wait3A_102 : memref<139264x128xf32, #tpu.memory_space<hbm>>) dst(%arg8 : memref<128x128xf32, #tpu.memory_space<vmem>>)
      %mul3A_103 = arith.constant 128 : i32
      %mul3A_104 = arith.muli %add3A_96, %mul3A_103 : i32
      %add3A_105 = arith.addi %mul3A_2, %mul3A_104 : i32
      %dma_start3A_106 = arith.constant 0 : i32
      %dma_start3A_107 = tpu.memref_slice %arg4[%add3A_105, %dma_start3A_106] : memref<204800x128xf32, #tpu.memory_space<hbm>> -> memref<128x128xf32, #tpu.memory_space<hbm>>
      %dma_start3A_108 = arith.constant 0 : i32
      %dma_start3A_109 = tpu.memref_slice %arg4[%add3A_105, %dma_start3A_108] : memref<204800x128xf32, #tpu.memory_space<hbm>> -> memref<128x128xf32, #tpu.memory_space<hbm>>
      tpu.enqueue_dma source(%arg8 : memref<128x128xf32, #tpu.memory_space<vmem>>) target(%dma_start3A_109 : memref<128x128xf32, #tpu.memory_space<hbm>>) target_semaphore(%arg18 : memref<!tpu.dma_semaphore, #tpu.memory_space<semaphore_mem>>)
      %add3A_110 = arith.constant 3 : i32
      %add3A_111 = arith.addi %add3A_64, %add3A_110 : i32
      %mul3A_112 = arith.constant 128 : i32
      %mul3A_113 = arith.muli %add3A_111, %mul3A_112 : i32
      %dma_wait3A_114 = tpu.memref_slice %arg5[%mul3A_113] : memref<6400xi32, #tpu.memory_space<vmem>> -> memref<128xi32, #tpu.memory_space<vmem>>
      %dma_wait3A_115 = arith.constant 0 : i32
      %dma_wait3A_116 = arith.constant 0 : i32
      %dma_wait3A_117 = tpu.memref_slice %arg2[%dma_wait3A_115, %dma_wait3A_116] : memref<139264x128xf32, #tpu.memory_space<hbm>> -> memref<139264x128xf32, #tpu.memory_space<hbm>>
      tpu.wait_indirect_dma semaphore(%arg14 : memref<!tpu.dma_semaphore, #tpu.memory_space<semaphore_mem>>) src(%dma_wait3A_117 : memref<139264x128xf32, #tpu.memory_space<hbm>>) dst(%arg9 : memref<128x128xf32, #tpu.memory_space<vmem>>)
      %mul3A_118 = arith.constant 128 : i32
      %mul3A_119 = arith.muli %add3A_111, %mul3A_118 : i32
      %add3A_120 = arith.addi %mul3A_2, %mul3A_119 : i32
      %dma_start3A_121 = arith.constant 0 : i32
      %dma_start3A_122 = tpu.memref_slice %arg4[%add3A_120, %dma_start3A_121] : memref<204800x128xf32, #tpu.memory_space<hbm>> -> memref<128x128xf32, #tpu.memory_space<hbm>>
      %dma_start3A_123 = arith.constant 0 : i32
      %dma_start3A_124 = tpu.memref_slice %arg4[%add3A_120, %dma_start3A_123] : memref<204800x128xf32, #tpu.memory_space<hbm>> -> memref<128x128xf32, #tpu.memory_space<hbm>>
      tpu.enqueue_dma source(%arg9 : memref<128x128xf32, #tpu.memory_space<vmem>>) target(%dma_start3A_124 : memref<128x128xf32, #tpu.memory_space<hbm>>) target_semaphore(%arg19 : memref<!tpu.dma_semaphore, #tpu.memory_space<semaphore_mem>>)
      %add3A_125 = arith.constant 4 : i32
      %add3A_126 = arith.addi %add3A_64, %add3A_125 : i32
      %mul3A_127 = arith.constant 128 : i32
      %mul3A_128 = arith.muli %add3A_126, %mul3A_127 : i32
      %dma_wait3A_129 = tpu.memref_slice %arg5[%mul3A_128] : memref<6400xi32, #tpu.memory_space<vmem>> -> memref<128xi32, #tpu.memory_space<vmem>>
      %dma_wait3A_130 = arith.constant 0 : i32
      %dma_wait3A_131 = arith.constant 0 : i32
      %dma_wait3A_132 = tpu.memref_slice %arg2[%dma_wait3A_130, %dma_wait3A_131] : memref<139264x128xf32, #tpu.memory_space<hbm>> -> memref<139264x128xf32, #tpu.memory_space<hbm>>
      tpu.wait_indirect_dma semaphore(%arg15 : memref<!tpu.dma_semaphore, #tpu.memory_space<semaphore_mem>>) src(%dma_wait3A_132 : memref<139264x128xf32, #tpu.memory_space<hbm>>) dst(%arg10 : memref<128x128xf32, #tpu.memory_space<vmem>>)
      %mul3A_133 = arith.constant 128 : i32
      %mul3A_134 = arith.muli %add3A_126, %mul3A_133 : i32
      %add3A_135 = arith.addi %mul3A_2, %mul3A_134 : i32
      %dma_start3A_136 = arith.constant 0 : i32
      %dma_start3A_137 = tpu.memref_slice %arg4[%add3A_135, %dma_start3A_136] : memref<204800x128xf32, #tpu.memory_space<hbm>> -> memref<128x128xf32, #tpu.memory_space<hbm>>
      %dma_start3A_138 = arith.constant 0 : i32
      %dma_start3A_139 = tpu.memref_slice %arg4[%add3A_135, %dma_start3A_138] : memref<204800x128xf32, #tpu.memory_space<hbm>> -> memref<128x128xf32, #tpu.memory_space<hbm>>
      tpu.enqueue_dma source(%arg10 : memref<128x128xf32, #tpu.memory_space<vmem>>) target(%dma_start3A_139 : memref<128x128xf32, #tpu.memory_space<hbm>>) target_semaphore(%arg20 : memref<!tpu.dma_semaphore, #tpu.memory_space<semaphore_mem>>)
      %add3A_140 = arith.constant 0 : i32
      %add3A_141 = arith.addi %add3A_64, %add3A_140 : i32
      %add3A_142 = arith.constant 5 : i32
      %add3A_143 = arith.addi %add3A_141, %add3A_142 : i32
      %lt3A = arith.constant 50 : i32
      %lt3A_144 = arith.cmpi slt, %add3A_143, %lt3A : i32
      %convert_element_type3A = arith.extui %lt3A_144 : i1 to i32
      %cond3A = arith.constant 0 : i32
      %cond3A_145 = arith.cmpi ne, %convert_element_type3A, %cond3A : i32
      scf.if %cond3A_145 {
        %mul3A_182 = arith.constant 128 : i32
        %mul3A_183 = arith.muli %add3A_141, %mul3A_182 : i32
        %add3A_184 = arith.addi %mul3A_2, %mul3A_183 : i32
        %dma_wait3A_185 = arith.constant 0 : i32
        %dma_wait3A_186 = tpu.memref_slice %arg4[%add3A_184, %dma_wait3A_185] : memref<204800x128xf32, #tpu.memory_space<hbm>> -> memref<128x128xf32, #tpu.memory_space<hbm>>
        %dma_wait3A_187 = arith.constant 0 : i32
        %dma_wait3A_188 = tpu.memref_slice %arg4[%add3A_184, %dma_wait3A_187] : memref<204800x128xf32, #tpu.memory_space<hbm>> -> memref<128x128xf32, #tpu.memory_space<hbm>>
        tpu.wait_dma2 semaphore(%arg16 : memref<!tpu.dma_semaphore, #tpu.memory_space<semaphore_mem>>) src(%arg6 : memref<128x128xf32, #tpu.memory_space<vmem>>) dst(%dma_wait3A_188 : memref<128x128xf32, #tpu.memory_space<hbm>>)
        %add3A_189 = arith.constant 5 : i32
        %add3A_190 = arith.addi %add3A_141, %add3A_189 : i32
        %mul3A_191 = arith.constant 128 : i32
        %mul3A_192 = arith.muli %add3A_190, %mul3A_191 : i32
        %dma_start3A_193 = tpu.memref_slice %arg5[%mul3A_192] : memref<6400xi32, #tpu.memory_space<vmem>> -> memref<128xi32, #tpu.memory_space<vmem>>
        %dma_start3A_194 = arith.constant 0 : i32
        %dma_start3A_195 = arith.constant 0 : i32
        %dma_start3A_196 = tpu.memref_slice %arg2[%dma_start3A_194, %dma_start3A_195] : memref<139264x128xf32, #tpu.memory_space<hbm>> -> memref<139264x128xf32, #tpu.memory_space<hbm>>
        tpu.enqueue_indirect_dma source(%dma_start3A_196 : memref<139264x128xf32, #tpu.memory_space<hbm>>) target(%arg6 : memref<128x128xf32, #tpu.memory_space<vmem>>) offsets(%dma_start3A_193 : memref<128xi32, #tpu.memory_space<vmem>>) semaphore(%arg11 : memref<!tpu.dma_semaphore, #tpu.memory_space<semaphore_mem>>)
      } else {
      }
      %add3A_146 = arith.constant 1 : i32
      %add3A_147 = arith.addi %add3A_64, %add3A_146 : i32
      %add3A_148 = arith.constant 5 : i32
      %add3A_149 = arith.addi %add3A_147, %add3A_148 : i32
      %lt3A_150 = arith.constant 50 : i32
      %lt3A_151 = arith.cmpi slt, %add3A_149, %lt3A_150 : i32
      %convert_element_type3A_152 = arith.extui %lt3A_151 : i1 to i32
      %cond3A_153 = arith.constant 0 : i32
      %cond3A_154 = arith.cmpi ne, %convert_element_type3A_152, %cond3A_153 : i32
      scf.if %cond3A_154 {
        %mul3A_182 = arith.constant 128 : i32
        %mul3A_183 = arith.muli %add3A_147, %mul3A_182 : i32
        %add3A_184 = arith.addi %mul3A_2, %mul3A_183 : i32
        %dma_wait3A_185 = arith.constant 0 : i32
        %dma_wait3A_186 = tpu.memref_slice %arg4[%add3A_184, %dma_wait3A_185] : memref<204800x128xf32, #tpu.memory_space<hbm>> -> memref<128x128xf32, #tpu.memory_space<hbm>>
        %dma_wait3A_187 = arith.constant 0 : i32
        %dma_wait3A_188 = tpu.memref_slice %arg4[%add3A_184, %dma_wait3A_187] : memref<204800x128xf32, #tpu.memory_space<hbm>> -> memref<128x128xf32, #tpu.memory_space<hbm>>
        tpu.wait_dma2 semaphore(%arg17 : memref<!tpu.dma_semaphore, #tpu.memory_space<semaphore_mem>>) src(%arg7 : memref<128x128xf32, #tpu.memory_space<vmem>>) dst(%dma_wait3A_188 : memref<128x128xf32, #tpu.memory_space<hbm>>)
        %add3A_189 = arith.constant 5 : i32
        %add3A_190 = arith.addi %add3A_147, %add3A_189 : i32
        %mul3A_191 = arith.constant 128 : i32
        %mul3A_192 = arith.muli %add3A_190, %mul3A_191 : i32
        %dma_start3A_193 = tpu.memref_slice %arg5[%mul3A_192] : memref<6400xi32, #tpu.memory_space<vmem>> -> memref<128xi32, #tpu.memory_space<vmem>>
        %dma_start3A_194 = arith.constant 0 : i32
        %dma_start3A_195 = arith.constant 0 : i32
        %dma_start3A_196 = tpu.memref_slice %arg2[%dma_start3A_194, %dma_start3A_195] : memref<139264x128xf32, #tpu.memory_space<hbm>> -> memref<139264x128xf32, #tpu.memory_space<hbm>>
        tpu.enqueue_indirect_dma source(%dma_start3A_196 : memref<139264x128xf32, #tpu.memory_space<hbm>>) target(%arg7 : memref<128x128xf32, #tpu.memory_space<vmem>>) offsets(%dma_start3A_193 : memref<128xi32, #tpu.memory_space<vmem>>) semaphore(%arg12 : memref<!tpu.dma_semaphore, #tpu.memory_space<semaphore_mem>>)
      } else {
      }
      %add3A_155 = arith.constant 2 : i32
      %add3A_156 = arith.addi %add3A_64, %add3A_155 : i32
      %add3A_157 = arith.constant 5 : i32
      %add3A_158 = arith.addi %add3A_156, %add3A_157 : i32
      %lt3A_159 = arith.constant 50 : i32
      %lt3A_160 = arith.cmpi slt, %add3A_158, %lt3A_159 : i32
      %convert_element_type3A_161 = arith.extui %lt3A_160 : i1 to i32
      %cond3A_162 = arith.constant 0 : i32
      %cond3A_163 = arith.cmpi ne, %convert_element_type3A_161, %cond3A_162 : i32
      scf.if %cond3A_163 {
        %mul3A_182 = arith.constant 128 : i32
        %mul3A_183 = arith.muli %add3A_156, %mul3A_182 : i32
        %add3A_184 = arith.addi %mul3A_2, %mul3A_183 : i32
        %dma_wait3A_185 = arith.constant 0 : i32
        %dma_wait3A_186 = tpu.memref_slice %arg4[%add3A_184, %dma_wait3A_185] : memref<204800x128xf32, #tpu.memory_space<hbm>> -> memref<128x128xf32, #tpu.memory_space<hbm>>
        %dma_wait3A_187 = arith.constant 0 : i32
        %dma_wait3A_188 = tpu.memref_slice %arg4[%add3A_184, %dma_wait3A_187] : memref<204800x128xf32, #tpu.memory_space<hbm>> -> memref<128x128xf32, #tpu.memory_space<hbm>>
        tpu.wait_dma2 semaphore(%arg18 : memref<!tpu.dma_semaphore, #tpu.memory_space<semaphore_mem>>) src(%arg8 : memref<128x128xf32, #tpu.memory_space<vmem>>) dst(%dma_wait3A_188 : memref<128x128xf32, #tpu.memory_space<hbm>>)
        %add3A_189 = arith.constant 5 : i32
        %add3A_190 = arith.addi %add3A_156, %add3A_189 : i32
        %mul3A_191 = arith.constant 128 : i32
        %mul3A_192 = arith.muli %add3A_190, %mul3A_191 : i32
        %dma_start3A_193 = tpu.memref_slice %arg5[%mul3A_192] : memref<6400xi32, #tpu.memory_space<vmem>> -> memref<128xi32, #tpu.memory_space<vmem>>
        %dma_start3A_194 = arith.constant 0 : i32
        %dma_start3A_195 = arith.constant 0 : i32
        %dma_start3A_196 = tpu.memref_slice %arg2[%dma_start3A_194, %dma_start3A_195] : memref<139264x128xf32, #tpu.memory_space<hbm>> -> memref<139264x128xf32, #tpu.memory_space<hbm>>
        tpu.enqueue_indirect_dma source(%dma_start3A_196 : memref<139264x128xf32, #tpu.memory_space<hbm>>) target(%arg8 : memref<128x128xf32, #tpu.memory_space<vmem>>) offsets(%dma_start3A_193 : memref<128xi32, #tpu.memory_space<vmem>>) semaphore(%arg13 : memref<!tpu.dma_semaphore, #tpu.memory_space<semaphore_mem>>)
      } else {
      }
      %add3A_164 = arith.constant 3 : i32
      %add3A_165 = arith.addi %add3A_64, %add3A_164 : i32
      %add3A_166 = arith.constant 5 : i32
      %add3A_167 = arith.addi %add3A_165, %add3A_166 : i32
      %lt3A_168 = arith.constant 50 : i32
      %lt3A_169 = arith.cmpi slt, %add3A_167, %lt3A_168 : i32
      %convert_element_type3A_170 = arith.extui %lt3A_169 : i1 to i32
      %cond3A_171 = arith.constant 0 : i32
      %cond3A_172 = arith.cmpi ne, %convert_element_type3A_170, %cond3A_171 : i32
      scf.if %cond3A_172 {
        %mul3A_182 = arith.constant 128 : i32
        %mul3A_183 = arith.muli %add3A_165, %mul3A_182 : i32
        %add3A_184 = arith.addi %mul3A_2, %mul3A_183 : i32
        %dma_wait3A_185 = arith.constant 0 : i32
        %dma_wait3A_186 = tpu.memref_slice %arg4[%add3A_184, %dma_wait3A_185] : memref<204800x128xf32, #tpu.memory_space<hbm>> -> memref<128x128xf32, #tpu.memory_space<hbm>>
        %dma_wait3A_187 = arith.constant 0 : i32
        %dma_wait3A_188 = tpu.memref_slice %arg4[%add3A_184, %dma_wait3A_187] : memref<204800x128xf32, #tpu.memory_space<hbm>> -> memref<128x128xf32, #tpu.memory_space<hbm>>
        tpu.wait_dma2 semaphore(%arg19 : memref<!tpu.dma_semaphore, #tpu.memory_space<semaphore_mem>>) src(%arg9 : memref<128x128xf32, #tpu.memory_space<vmem>>) dst(%dma_wait3A_188 : memref<128x128xf32, #tpu.memory_space<hbm>>)
        %add3A_189 = arith.constant 5 : i32
        %add3A_190 = arith.addi %add3A_165, %add3A_189 : i32
        %mul3A_191 = arith.constant 128 : i32
        %mul3A_192 = arith.muli %add3A_190, %mul3A_191 : i32
        %dma_start3A_193 = tpu.memref_slice %arg5[%mul3A_192] : memref<6400xi32, #tpu.memory_space<vmem>> -> memref<128xi32, #tpu.memory_space<vmem>>
        %dma_start3A_194 = arith.constant 0 : i32
        %dma_start3A_195 = arith.constant 0 : i32
        %dma_start3A_196 = tpu.memref_slice %arg2[%dma_start3A_194, %dma_start3A_195] : memref<139264x128xf32, #tpu.memory_space<hbm>> -> memref<139264x128xf32, #tpu.memory_space<hbm>>
        tpu.enqueue_indirect_dma source(%dma_start3A_196 : memref<139264x128xf32, #tpu.memory_space<hbm>>) target(%arg9 : memref<128x128xf32, #tpu.memory_space<vmem>>) offsets(%dma_start3A_193 : memref<128xi32, #tpu.memory_space<vmem>>) semaphore(%arg14 : memref<!tpu.dma_semaphore, #tpu.memory_space<semaphore_mem>>)
      } else {
      }
      %add3A_173 = arith.constant 4 : i32
      %add3A_174 = arith.addi %add3A_64, %add3A_173 : i32
      %add3A_175 = arith.constant 5 : i32
      %add3A_176 = arith.addi %add3A_174, %add3A_175 : i32
      %lt3A_177 = arith.constant 50 : i32
      %lt3A_178 = arith.cmpi slt, %add3A_176, %lt3A_177 : i32
      %convert_element_type3A_179 = arith.extui %lt3A_178 : i1 to i32
      %cond3A_180 = arith.constant 0 : i32
      %cond3A_181 = arith.cmpi ne, %convert_element_type3A_179, %cond3A_180 : i32
      scf.if %cond3A_181 {
        %mul3A_182 = arith.constant 128 : i32
        %mul3A_183 = arith.muli %add3A_174, %mul3A_182 : i32
        %add3A_184 = arith.addi %mul3A_2, %mul3A_183 : i32
        %dma_wait3A_185 = arith.constant 0 : i32
        %dma_wait3A_186 = tpu.memref_slice %arg4[%add3A_184, %dma_wait3A_185] : memref<204800x128xf32, #tpu.memory_space<hbm>> -> memref<128x128xf32, #tpu.memory_space<hbm>>
        %dma_wait3A_187 = arith.constant 0 : i32
        %dma_wait3A_188 = tpu.memref_slice %arg4[%add3A_184, %dma_wait3A_187] : memref<204800x128xf32, #tpu.memory_space<hbm>> -> memref<128x128xf32, #tpu.memory_space<hbm>>
        tpu.wait_dma2 semaphore(%arg20 : memref<!tpu.dma_semaphore, #tpu.memory_space<semaphore_mem>>) src(%arg10 : memref<128x128xf32, #tpu.memory_space<vmem>>) dst(%dma_wait3A_188 : memref<128x128xf32, #tpu.memory_space<hbm>>)
        %add3A_189 = arith.constant 5 : i32
        %add3A_190 = arith.addi %add3A_174, %add3A_189 : i32
        %mul3A_191 = arith.constant 128 : i32
        %mul3A_192 = arith.muli %add3A_190, %mul3A_191 : i32
        %dma_start3A_193 = tpu.memref_slice %arg5[%mul3A_192] : memref<6400xi32, #tpu.memory_space<vmem>> -> memref<128xi32, #tpu.memory_space<vmem>>
        %dma_start3A_194 = arith.constant 0 : i32
        %dma_start3A_195 = arith.constant 0 : i32
        %dma_start3A_196 = tpu.memref_slice %arg2[%dma_start3A_194, %dma_start3A_195] : memref<139264x128xf32, #tpu.memory_space<hbm>> -> memref<139264x128xf32, #tpu.memory_space<hbm>>
        tpu.enqueue_indirect_dma source(%dma_start3A_196 : memref<139264x128xf32, #tpu.memory_space<hbm>>) target(%arg10 : memref<128x128xf32, #tpu.memory_space<vmem>>) offsets(%dma_start3A_193 : memref<128xi32, #tpu.memory_space<vmem>>) semaphore(%arg15 : memref<!tpu.dma_semaphore, #tpu.memory_space<semaphore_mem>>)
      } else {
      }
    }
    %scan3A_30 = arith.constant 10 : i32
    %add3A_31 = arith.constant 5760 : i32
    %add3A_32 = arith.addi %mul3A_2, %add3A_31 : i32
    %dma_wait3A = arith.constant 0 : i32
    %dma_wait3A_33 = tpu.memref_slice %arg4[%add3A_32, %dma_wait3A] : memref<204800x128xf32, #tpu.memory_space<hbm>> -> memref<128x128xf32, #tpu.memory_space<hbm>>
    %dma_wait3A_34 = arith.constant 0 : i32
    %dma_wait3A_35 = tpu.memref_slice %arg4[%add3A_32, %dma_wait3A_34] : memref<204800x128xf32, #tpu.memory_space<hbm>> -> memref<128x128xf32, #tpu.memory_space<hbm>>
    tpu.wait_dma2 semaphore(%arg16 : memref<!tpu.dma_semaphore, #tpu.memory_space<semaphore_mem>>) src(%arg6 : memref<128x128xf32, #tpu.memory_space<vmem>>) dst(%dma_wait3A_35 : memref<128x128xf32, #tpu.memory_space<hbm>>)
    %add3A_36 = arith.constant 5888 : i32
    %add3A_37 = arith.addi %mul3A_2, %add3A_36 : i32
    %dma_wait3A_38 = arith.constant 0 : i32
    %dma_wait3A_39 = tpu.memref_slice %arg4[%add3A_37, %dma_wait3A_38] : memref<204800x128xf32, #tpu.memory_space<hbm>> -> memref<128x128xf32, #tpu.memory_space<hbm>>
    %dma_wait3A_40 = arith.constant 0 : i32
    %dma_wait3A_41 = tpu.memref_slice %arg4[%add3A_37, %dma_wait3A_40] : memref<204800x128xf32, #tpu.memory_space<hbm>> -> memref<128x128xf32, #tpu.memory_space<hbm>>
    tpu.wait_dma2 semaphore(%arg17 : memref<!tpu.dma_semaphore, #tpu.memory_space<semaphore_mem>>) src(%arg7 : memref<128x128xf32, #tpu.memory_space<vmem>>) dst(%dma_wait3A_41 : memref<128x128xf32, #tpu.memory_space<hbm>>)
    %add3A_42 = arith.constant 6016 : i32
    %add3A_43 = arith.addi %mul3A_2, %add3A_42 : i32
    %dma_wait3A_44 = arith.constant 0 : i32
    %dma_wait3A_45 = tpu.memref_slice %arg4[%add3A_43, %dma_wait3A_44] : memref<204800x128xf32, #tpu.memory_space<hbm>> -> memref<128x128xf32, #tpu.memory_space<hbm>>
    %dma_wait3A_46 = arith.constant 0 : i32
    %dma_wait3A_47 = tpu.memref_slice %arg4[%add3A_43, %dma_wait3A_46] : memref<204800x128xf32, #tpu.memory_space<hbm>> -> memref<128x128xf32, #tpu.memory_space<hbm>>
    tpu.wait_dma2 semaphore(%arg18 : memref<!tpu.dma_semaphore, #tpu.memory_space<semaphore_mem>>) src(%arg8 : memref<128x128xf32, #tpu.memory_space<vmem>>) dst(%dma_wait3A_47 : memref<128x128xf32, #tpu.memory_space<hbm>>)
    %add3A_48 = arith.constant 6144 : i32
    %add3A_49 = arith.addi %mul3A_2, %add3A_48 : i32
    %dma_wait3A_50 = arith.constant 0 : i32
    %dma_wait3A_51 = tpu.memref_slice %arg4[%add3A_49, %dma_wait3A_50] : memref<204800x128xf32, #tpu.memory_space<hbm>> -> memref<128x128xf32, #tpu.memory_space<hbm>>
    %dma_wait3A_52 = arith.constant 0 : i32
    %dma_wait3A_53 = tpu.memref_slice %arg4[%add3A_49, %dma_wait3A_52] : memref<204800x128xf32, #tpu.memory_space<hbm>> -> memref<128x128xf32, #tpu.memory_space<hbm>>
    tpu.wait_dma2 semaphore(%arg19 : memref<!tpu.dma_semaphore, #tpu.memory_space<semaphore_mem>>) src(%arg9 : memref<128x128xf32, #tpu.memory_space<vmem>>) dst(%dma_wait3A_53 : memref<128x128xf32, #tpu.memory_space<hbm>>)
    %add3A_54 = arith.constant 6272 : i32
    %add3A_55 = arith.addi %mul3A_2, %add3A_54 : i32
    %dma_wait3A_56 = arith.constant 0 : i32
    %dma_wait3A_57 = tpu.memref_slice %arg4[%add3A_55, %dma_wait3A_56] : memref<204800x128xf32, #tpu.memory_space<hbm>> -> memref<128x128xf32, #tpu.memory_space<hbm>>
    %dma_wait3A_58 = arith.constant 0 : i32
    %dma_wait3A_59 = tpu.memref_slice %arg4[%add3A_55, %dma_wait3A_58] : memref<204800x128xf32, #tpu.memory_space<hbm>> -> memref<128x128xf32, #tpu.memory_space<hbm>>
    tpu.wait_dma2 semaphore(%arg20 : memref<!tpu.dma_semaphore, #tpu.memory_space<semaphore_mem>>) src(%arg10 : memref<128x128xf32, #tpu.memory_space<vmem>>) dst(%dma_wait3A_59 : memref<128x128xf32, #tpu.memory_space<hbm>>)
    return
  }
}

module attributes {stable_mosaic.version = 14 : i64} {
  func.func @_build_table_body(%arg0: i32, %arg1: memref<8192x128xf32, #tpu.memory_space<vmem>>, %arg2: memref<128x128xf32, #tpu.memory_space<vmem>>, %arg3: memref<64x128xf32, #tpu.memory_space<vmem>>, %arg4: memref<128x200xi32, #tpu.memory_space<vmem>>, %arg5: memref<8192x128xf32, #tpu.memory_space<vmem>>, %arg6: memref<128x200xi32, #tpu.memory_space<vmem>>) attributes {dimension_semantics = [#tpu.dimension_semantics<arbitrary>], iteration_bounds = array<i64: 17>, scalar_prefetch = 0 : i64, scratch_operands = 0 : i64, tpu.core_type = #tpu.core_type<tc>, window_params = [{transform_indices = @transform_0, window_bounds = array<i64: 8192, 128>}, {transform_indices = @transform_1, window_bounds = array<i64: 128, 128>}, {transform_indices = @transform_2, window_bounds = array<i64: 64, 128>}, {transform_indices = @transform_3, window_bounds = array<i64: 128, 200>}, {transform_indices = @transform_4, window_bounds = array<i64: 8192, 128>}, {transform_indices = @transform_5, window_bounds = array<i64: 128, 200>}]} {
    %lt3A = arith.constant 13 : i32
    %lt3A_0 = arith.cmpi slt, %arg0, %lt3A : i32
    %convert_element_type3A = arith.extui %lt3A_0 : i1 to i32
    %cond3A = arith.constant 0 : i32
    %cond3A_1 = arith.cmpi ne, %convert_element_type3A, %cond3A : i32
    scf.if %cond3A_1 {
      %get3A = arith.constant 0 : index
      %get3A_11 = arith.constant 0 : index
      %get3A_12 = vector.load %arg1[%get3A, %get3A_11] : memref<8192x128xf32, #tpu.memory_space<vmem>>, vector<8192x128xf32>
      %mul3A = arith.constant 11.3137083 : f32
      %mul3A_13 = vector.broadcast %mul3A : f32 to vector<8192x128xf32>
      %mul3A_14 = arith.mulf %get3A_12, %mul3A_13 : vector<8192x128xf32>
      %get3A_15 = arith.constant 0 : index
      %get3A_16 = arith.constant 0 : index
      %get3A_17 = vector.load %arg3[%get3A_15, %get3A_16] : memref<64x128xf32, #tpu.memory_space<vmem>>, vector<1x128xf32>
      %mul3A_18 = arith.constant 11.3137083 : f32
      %mul3A_19 = vector.broadcast %mul3A_18 : f32 to vector<1x128xf32>
      %mul3A_20 = arith.mulf %get3A_17, %mul3A_19 : vector<1x128xf32>
      %add3A = vector.broadcast %mul3A_20 : vector<1x128xf32> to vector<8192x128xf32>
      %add3A_21 = arith.addf %mul3A_14, %add3A : vector<8192x128xf32>
      %swap3A = arith.constant 0 : index
      %swap3A_22 = arith.constant 0 : index
      %swap3A_23 = vector.load %arg5[%swap3A, %swap3A_22] : memref<8192x128xf32, #tpu.memory_space<vmem>>, vector<8192x128xf32>
      tpu.vector_store %arg5[%swap3A, %swap3A_22], %add3A_21 {strides = array<i32>} : memref<8192x128xf32, #tpu.memory_space<vmem>>, vector<8192x128xf32>,
    } else {
    }
    %ge3A = arith.constant 13 : i32
    %ge3A_2 = arith.cmpi sge, %arg0, %ge3A : i32
    %convert_element_type3A_3 = arith.extui %ge3A_2 : i1 to i32
    %cond3A_4 = arith.constant 0 : i32
    %cond3A_5 = arith.cmpi ne, %convert_element_type3A_3, %cond3A_4 : i32
    scf.if %cond3A_5 {
      %get3A = arith.constant 0 : index
      %get3A_11 = arith.constant 0 : index
      %get3A_12 = vector.load %arg2[%get3A, %get3A_11] : memref<128x128xf32, #tpu.memory_space<vmem>>, vector<128x128xf32>
      %mul3A = arith.constant 11.3137083 : f32
      %mul3A_13 = vector.broadcast %mul3A : f32 to vector<128x128xf32>
      %mul3A_14 = arith.mulf %get3A_12, %mul3A_13 : vector<128x128xf32>
      %broadcast_in_dim3A = vector.shape_cast %mul3A_14 : vector<128x128xf32> to vector<1x128x128xf32>
      %get3A_15 = arith.constant 0 : index
      %get3A_16 = arith.constant 0 : index
      %get3A_17 = vector.load %arg3[%get3A_15, %get3A_16] : memref<64x128xf32, #tpu.memory_space<vmem>>, vector<64x128xf32>
      %mul3A_18 = arith.constant 11.3137083 : f32
      %mul3A_19 = vector.broadcast %mul3A_18 : f32 to vector<64x128xf32>
      %mul3A_20 = arith.mulf %get3A_17, %mul3A_19 : vector<64x128xf32>
      %slice3A = vector.extract_strided_slice %mul3A_20 {offsets = [0, 0], sizes = [32, 128], strides = [1, 1]} : vector<64x128xf32> to vector<32x128xf32>
      %broadcast_in_dim3A_21 = vector.shape_cast %slice3A : vector<32x128xf32> to vector<32x1x128xf32>
      %add3A = vector.broadcast %broadcast_in_dim3A : vector<1x128x128xf32> to vector<32x128x128xf32>
      %add3A_22 = vector.broadcast %broadcast_in_dim3A_21 : vector<32x1x128xf32> to vector<32x128x128xf32>
      %add3A_23 = arith.addf %add3A, %add3A_22 : vector<32x128x128xf32>
      %slice3A_24 = vector.extract_strided_slice %mul3A_20 {offsets = [32, 0], sizes = [32, 128], strides = [1, 1]} : vector<64x128xf32> to vector<32x128xf32>
      %broadcast_in_dim3A_25 = vector.shape_cast %slice3A_24 : vector<32x128xf32> to vector<32x1x128xf32>
      %add3A_26 = vector.broadcast %broadcast_in_dim3A : vector<1x128x128xf32> to vector<32x128x128xf32>
      %add3A_27 = vector.broadcast %broadcast_in_dim3A_25 : vector<32x1x128xf32> to vector<32x128x128xf32>
      %add3A_28 = arith.addf %add3A_26, %add3A_27 : vector<32x128x128xf32>
      %reshape3A = vector.shape_cast %add3A_23 : vector<32x128x128xf32> to vector<4096x128xf32>
      %swap3A = arith.constant 0 : index
      %swap3A_29 = arith.constant 0 : index
      %swap3A_30 = vector.load %arg5[%swap3A, %swap3A_29] : memref<8192x128xf32, #tpu.memory_space<vmem>>, vector<4096x128xf32>
      tpu.vector_store %arg5[%swap3A, %swap3A_29], %reshape3A {strides = array<i32>} : memref<8192x128xf32, #tpu.memory_space<vmem>>, vector<4096x128xf32>,
      %reshape3A_31 = vector.shape_cast %add3A_28 : vector<32x128x128xf32> to vector<4096x128xf32>
      %swap3A_32 = arith.constant 4096 : index
      %swap3A_33 = arith.constant 0 : index
      %swap3A_34 = vector.load %arg5[%swap3A_32, %swap3A_33] : memref<8192x128xf32, #tpu.memory_space<vmem>>, vector<4096x128xf32>
      tpu.vector_store %arg5[%swap3A_32, %swap3A_33], %reshape3A_31 {strides = array<i32>} : memref<8192x128xf32, #tpu.memory_space<vmem>>, vector<4096x128xf32>,
    } else {
    }
    %lt3A_6 = arith.constant 8 : i32
    %lt3A_7 = arith.cmpi slt, %arg0, %lt3A_6 : i32
    %convert_element_type3A_8 = arith.extui %lt3A_7 : i1 to i32
    %cond3A_9 = arith.constant 0 : i32
    %cond3A_10 = arith.cmpi ne, %convert_element_type3A_8, %cond3A_9 : i32
    scf.if %cond3A_10 {
      %get3A = arith.constant 0 : index
      %get3A_11 = arith.constant 0 : index
      %get3A_12 = vector.load %arg4[%get3A, %get3A_11] : memref<128x200xi32, #tpu.memory_space<vmem>>, vector<128x200xi32>
      %ge3A_13 = arith.constant 10 : i32
      %ge3A_14 = vector.broadcast %ge3A_13 : i32 to vector<128x200xi32>
      %ge3A_15 = arith.cmpi sge, %get3A_12, %ge3A_14 : vector<128x200xi32>
      %lt3A_16 = arith.constant 40 : i32
      %lt3A_17 = vector.broadcast %lt3A_16 : i32 to vector<128x200xi32>
      %lt3A_18 = arith.cmpi slt, %get3A_12, %lt3A_17 : vector<128x200xi32>
      %and3A = arith.andi %ge3A_15, %lt3A_18 : vector<128x200xi1>
      %ge3A_19 = arith.constant 10 : i32
      %ge3A_20 = vector.broadcast %ge3A_19 : i32 to vector<128x200xi32>
      %ge3A_21 = arith.cmpi sge, %get3A_12, %ge3A_20 : vector<128x200xi32>
      %lt3A_22 = arith.constant 110 : i32
      %lt3A_23 = vector.broadcast %lt3A_22 : i32 to vector<128x200xi32>
      %lt3A_24 = arith.cmpi slt, %get3A_12, %lt3A_23 : vector<128x200xi32>
      %and3A_25 = arith.andi %ge3A_21, %lt3A_24 : vector<128x200xi1>
      %eq3A = arith.constant 2 : i32
      %eq3A_26 = vector.broadcast %eq3A : i32 to vector<128x200xi32>
      %eq3A_27 = arith.cmpi eq, %get3A_12, %eq3A_26 : vector<128x200xi32>
      %jit3A = arith.constant 1.000000e+00 : f32
      %jit3A_28 = arith.constant 0.000000e+00 : f32
      %broadcast_in_dim3A = vector.broadcast %jit3A : f32 to vector<128x200xf32>
      %broadcast_in_dim3A_29 = vector.broadcast %jit3A_28 : f32 to vector<128x200xf32>
      %select_n3A = arith.select %and3A, %broadcast_in_dim3A, %broadcast_in_dim3A_29 : vector<128x200xi1>, vector<128x200xf32>
      %jit3A_30 = arith.constant -1.000000e+05 : f32
      %broadcast_in_dim3A_31 = vector.broadcast %jit3A_30 : f32 to vector<128x200xf32>
      %select_n3A_32 = arith.select %eq3A_27, %broadcast_in_dim3A_31, %select_n3A : vector<128x200xi1>, vector<128x200xf32>
      %iota3A = tpu.iota {dimensions = array<i32: 0>} : vector<200x200xi32>
      %iota3A_33 = tpu.iota {dimensions = array<i32: 1>} : vector<200x200xi32>
      %le3A = arith.cmpi sle, %iota3A, %iota3A_33 : vector<200x200xi32>
      %convert_element_type3A_34 = arith.extui %le3A : vector<200x200xi1> to vector<200x200xi32>
      %convert_element_type3A_35 = arith.sitofp %convert_element_type3A_34 : vector<200x200xi32> to vector<200x200xf32>
      %dot_general3A = arith.constant dense<0.000000e+00> : vector<128x200xf32>
      %dot_general3A_36 = tpu.matmul %select_n3A_32, %convert_element_type3A_35, %dot_general3A {dimension_numbers = #tpu.dot_dimension_numbers<[1], [0], [0], [1], [0, 0, 1, 1], [], []>, transpose_lhs_hint = false} : vector<128x200xf32>, vector<200x200xf32>, vector<128x200xf32> -> vector<128x200xf32>
      %convert_element_type3A_37 = arith.fptosi %dot_general3A_36 : vector<128x200xf32> to vector<128x200xi32>
      %lt3A_38 = arith.constant 0 : i32
      %lt3A_39 = vector.broadcast %lt3A_38 : i32 to vector<128x200xi32>
      %lt3A_40 = arith.cmpi slt, %convert_element_type3A_37, %lt3A_39 : vector<128x200xi32>
      %jit3A_41 = arith.constant 0 : i32
      %broadcast_in_dim3A_42 = vector.broadcast %jit3A_41 : i32 to vector<128x200xi32>
      %select_n3A_43 = arith.select %lt3A_40, %broadcast_in_dim3A_42, %convert_element_type3A_37 : vector<128x200xi1>, vector<128x200xi32>
      %gt3A = arith.constant 201 : i32
      %gt3A_44 = vector.broadcast %gt3A : i32 to vector<128x200xi32>
      %gt3A_45 = arith.cmpi sgt, %select_n3A_43, %gt3A_44 : vector<128x200xi32>
      %jit3A_46 = arith.constant 0 : i32
      %broadcast_in_dim3A_47 = vector.broadcast %jit3A_46 : i32 to vector<128x200xi32>
      %select_n3A_48 = arith.select %gt3A_45, %broadcast_in_dim3A_47, %select_n3A_43 : vector<128x200xi1>, vector<128x200xi32>
      %mul3A = arith.constant 128 : i32
      %mul3A_49 = vector.broadcast %mul3A : i32 to vector<128x200xi32>
      %mul3A_50 = arith.muli %select_n3A_48, %mul3A_49 : vector<128x200xi32>
      %add3A = arith.constant 106496 : i32
      %add3A_51 = vector.broadcast %add3A : i32 to vector<128x200xi32>
      %add3A_52 = arith.addi %add3A_51, %mul3A_50 : vector<128x200xi32>
      %add3A_53 = arith.addi %add3A_52, %get3A_12 : vector<128x200xi32>
      %select_n3A_54 = arith.select %and3A_25, %add3A_53, %get3A_12 : vector<128x200xi1>, vector<128x200xi32>
      %swap3A = arith.constant 0 : index
      %swap3A_55 = arith.constant 0 : index
      %swap3A_56 = vector.load %arg6[%swap3A, %swap3A_55] : memref<128x200xi32, #tpu.memory_space<vmem>>, vector<128x200xi32>
      tpu.vector_store %arg6[%swap3A, %swap3A_55], %select_n3A_54 {strides = array<i32>} : memref<128x200xi32, #tpu.memory_space<vmem>>, vector<128x200xi32>,
    } else {
    }
    return
  }
  func.func @transform_0(%arg0: i32) -> (i32, i32) {
    %min3A = arith.constant 12 : i32
    %min3A_0 = arith.minsi %arg0, %min3A : i32
    %c0_i32 = arith.constant 0 : i32
    %c0_i32_1 = arith.constant 0 : i32
    return %min3A_0, %c0_i32 : i32, i32
  }
  func.func @transform_1(%arg0: i32) -> (i32, i32) {
    %c0_i32 = arith.constant 0 : i32
    %c0_i32_0 = arith.constant 0 : i32
    %c0_i32_1 = arith.constant 0 : i32
    return %c0_i32, %c0_i32_0 : i32, i32
  }
  func.func @transform_2(%arg0: i32) -> (i32, i32) {
    %lt3A = arith.constant 13 : i32
    %lt3A_0 = arith.cmpi slt, %arg0, %lt3A : i32
    %sub3A = arith.constant 13 : i32
    %sub3A_1 = arith.subi %arg0, %sub3A : i32
    %jit3A = arith.constant 0 : i32
    %select_n3A = arith.select %lt3A_0, %jit3A, %sub3A_1 : i32
    %c0_i32 = arith.constant 0 : i32
    %c0_i32_2 = arith.constant 0 : i32
    return %select_n3A, %c0_i32 : i32, i32
  }
  func.func @transform_3(%arg0: i32) -> (i32, i32) {
    %min3A = arith.constant 7 : i32
    %min3A_0 = arith.minsi %arg0, %min3A : i32
    %c0_i32 = arith.constant 0 : i32
    %c0_i32_1 = arith.constant 0 : i32
    return %min3A_0, %c0_i32 : i32, i32
  }
  func.func @transform_4(%arg0: i32) -> (i32, i32) {
    %c0_i32 = arith.constant 0 : i32
    %c0_i32_0 = arith.constant 0 : i32
    return %arg0, %c0_i32 : i32, i32
  }
  func.func @transform_5(%arg0: i32) -> (i32, i32) {
    %min3A = arith.constant 7 : i32
    %min3A_0 = arith.minsi %arg0, %min3A : i32
    %c0_i32 = arith.constant 0 : i32
    %c0_i32_1 = arith.constant 0 : i32
    return %min3A_0, %c0_i32 : i32, i32
  }
}

</mosaic_0001>

<sc_bundles>
// kernel: kernel.4.cloned.1.call-start
scs
__scs_entry_jumppad:
0x0: {  	(pc) =	sbr.rel $0x88, $3  }
0x1: {  	(tag) =	ssettag $0x0;
	lr =	simm.s32 $0x1  }
0x2: {  	[smem:$0x3F9E] =	sst lr;
	_ =	strace $0xD0000000  }
0x3: {  	_ = 	snop  }
0x4: {  	_ = 	snop  }
0x5: {  	_ = 	snop  }
0x6: {  	_ = 	snop  }
0x7: {  	_ = 	snop  }
__scs_overlays_trampoline_lowered:
0x8: {  	[smem:$0x3FAD] =	sst s0  }
0x9: {  	[smem:$0x3FAE] =	sst s1  }
0xa: {  	[smem:$0x3FAF] =	sst s2  }
0xb: {  	[smem:$0x3FB0] =	sst s3  }
0xc: {  	[smem:$0x3FB1] =	sst s4  }
0xd: {  	[smem:$0x3FB2] =	sst s5  }
0xe: {  	[smem:$0x3FB3] =	sst s6  }
0xf: {  	[smem:$0x3FB4] =	sst s7  }
0x10: {  	[smem:$0x3FB5] =	sst s8  }
0x11: {  	[smem:$0x3FB6] =	sst s9;
	s0 =	simm.s32 @!p0 $0x0  }
0x12: {  	s1 =	sld [smem:$0x3F9C];
	s0 =	simm.s32 @p0 $0x1  }
0x13: {  	[smem:$0x3FB7] =	sst s0;
	s0 =	simm.s32 @!p1 $0x0  }
0x14: {  	s2 =	sld [smem:$0x3F9B];
	s0 =	simm.s32 @p1 $0x1  }
0x15: {  	[smem:$0x3FB8] =	sst s0;
	s0 =	simm.s32 @!p2 $0x0  }
0x16: {  	s3 =	sld [smem:$0x3FDB];
	s0 =	simm.s32 @p2 $0x1  }
0x17: {  	s4 =	simm.s32 $0x1BF5;
	[smem:$0x3FBA] =	sst s0  }
0x18: {  	s0 =	sld [smem:$0x3F9D];
	_ =	swait.ge [sflag:s4], $0x0  }
0x19: {  	s7 =	sld [smem:$0x3F9E]  }
0x1a: {  	s8 =	sadd.s32 $0xFFFFE003, lr  }
0x1b: {  	s9 =	sadd.s32 $0xFFFFFEF7, lr;
	s5 =	simm.s32 $0xFFFFFFFF;
	p2 =	slt.u32 s8, $0xFFFFF086  }
0x1c: {  	p1 =	slt.u32 s9, $0xF7A;
	s5 =	simm.s32 @!p2 $0x0  }
0x1d: {  	s5 =	simm.s32 @p1 $0x1;
	p0 =	seq.s32 s7, s2  }
0x1e: {  	s7 =	smul.u32 @!p0 $0xF7A, s2;
	p2 =	seq.s32 @!p0 s5, $0x0  }
0x1f: {  	s9 =	smul.u32 $0xF7A, s1;
	s8 =	simm.s32 @!p0 $0x1BF5;
	p2 =	por !p2, p0  }
0x20: {  	[sflag:s8] =	ssyncset.s32 @!p0 $0xFFFFF086;
	s6 =	sadd.s32 @!p0 s3, s7;
	s7 =	simm.s32 @!p0 $0x108  }
0x21: {  	s3 =	sadd.s32 s3, s9;
	s6 =	sadd.s32 @!p0 $0x88, s6;
	s7 =	simm.s32 @p2 $0x1082  }
0x22: {  	[simem:s7], [sflag:s8] =	dma.local @!p0 [hbm:s6], $0xF7A  }
0x23: {  	s9 =	sor.u32 $0xD0000000, s2;
	s6 =	simm.s32 $0x108;
	_ =	swait.ge @!p0 [sflag:s8], $0x0  }
0x24: {  	s3 =	sadd.s32 $0x88, s3;
	s6 =	simm.s32 @!p1 $0x1082;
	[sflag:s4] =	ssyncset.s32 $0xFFFFF086  }
0x25: {  	[simem:s6], [sflag:s4] =	dma.local [hbm:s3], $0xF7A  }
0x26: {  	[smem:$0x3F9E] =	sst s1;
	(tag) =	ssettag s2;
	_ =	strace s9  }
0x27: {  	s1 =	sld [smem:$0x3FAE]  }
0x28: {  	s2 =	sld [smem:$0x3FAF]  }
0x29: {  	s4 =	sld [smem:$0x3FB1]  }
0x2a: {  	p0 =	seq.s32 s5, $0x0;
	s5 =	sld [smem:$0x3FB2]  }
0x2b: {  	s6 =	sld [smem:$0x3FB3]  }
0x2c: {  	s7 =	sld [smem:$0x3FB4]  }
0x2d: {  	s3 =	simm.s32 $0x108;
	s8 =	sld [smem:$0x3FB5]  }
0x2e: {  	s3 =	simm.s32 @!p0 $0x1082;
	s9 =	sld [smem:$0x3FB6]  }
0x2f: {  	lr =	sadd.s32 s0, s3;
	s0 =	sld [smem:$0x3FAD]  }
0x30: {  	s3 =	sld [smem:$0x3FB0]  }
0x31: {  	[smem:$0x3FB9] =	sst s10  }
0x32: {  	s10 =	sld [smem:$0x3FB7];
	_ =	sdelay $0x3  }
0x33: {  	p0 =	seq.s32 s10, $0x1;
	s10 =	sld [smem:$0x3FB9];
	_ =	sdelay $0x3  }
0x34: {  	[smem:$0x3FB9] =	sst s10  }
0x35: {  	s10 =	sld [smem:$0x3FB8];
	_ =	sdelay $0x3  }
0x36: {  	p1 =	seq.s32 s10, $0x1;
	s10 =	sld [smem:$0x3FB9];
	_ =	sdelay $0x3  }
0x37: {  	[smem:$0x3FB9] =	sst s10  }
0x38: {  	s10 =	sld [smem:$0x3FBA]  }
0x39: {  	_ = 	snop;
	(pc) =	sbr.ind lr, $3  }
0x3a: {  	_ = 	snop  }
0x3b: {  	_ = 	snop  }
0x3c: {  	p2 =	seq.s32 s10, $0x1;
	s10 =	sld [smem:$0x3FB9]  }
0x3d: {  	_ =	shalt  }
0x3e: {  	_ =	shalt  }
0x3f: {  	_ =	shalt  }
0x40: {  	_ =	shalt  }
0x41: {  	_ =	shalt  }
0x42: {  	_ =	shalt  }
0x43: {  	_ =	shalt  }
0x44: {  	_ =	shalt  }
0x45: {  	_ =	shalt  }
0x46: {  	_ =	shalt  }
0x47: {  	_ =	shalt  }
0x48: {  	_ =	shalt  }
0x49: {  	_ =	shalt  }
0x4a: {  	_ =	shalt  }
0x4b: {  	_ =	shalt  }
0x4c: {  	_ =	shalt  }
0x4d: {  	_ =	shalt  }
0x4e: {  	_ =	shalt  }
0x4f: {  	_ =	shalt  }
0x50: {  	_ =	shalt  }
0x51: {  	_ =	shalt  }
0x52: {  	_ =	shalt  }
0x53: {  	_ =	shalt  }
0x54: {  	_ =	shalt  }
0x55: {  	_ =	shalt  }
0x56: {  	_ =	shalt  }
0x57: {  	_ =	shalt  }
0x58: {  	_ =	shalt  }
0x59: {  	_ =	shalt  }
0x5a: {  	_ =	shalt  }
0x5b: {  	_ =	shalt  }
0x5c: {  	_ =	shalt  }
0x5d: {  	_ =	shalt  }
0x5e: {  	_ =	shalt  }
0x5f: {  	_ =	shalt  }
0x60: {  	_ =	shalt  }
0x61: {  	_ =	shalt  }
0x62: {  	_ =	shalt  }
0x63: {  	_ =	shalt  }
0x64: {  	_ =	shalt  }
0x65: {  	_ =	shalt  }
0x66: {  	_ =	shalt  }
0x67: {  	_ =	shalt  }
0x68: {  	_ =	shalt  }
0x69: {  	_ =	shalt  }
0x6a: {  	_ =	shalt  }
0x6b: {  	_ =	shalt  }
0x6c: {  	_ =	shalt  }
0x6d: {  	_ =	shalt  }
0x6e: {  	_ =	shalt  }
0x6f: {  	_ =	shalt  }
0x70: {  	_ =	shalt  }
0x71: {  	_ =	shalt  }
0x72: {  	_ =	shalt  }
0x73: {  	_ =	shalt  }
0x74: {  	_ =	shalt  }
0x75: {  	_ =	shalt  }
0x76: {  	_ =	shalt  }
0x77: {  	_ =	shalt  }
0x78: {  	_ =	shalt  }
0x79: {  	_ =	shalt  }
0x7a: {  	_ =	shalt  }
0x7b: {  	_ =	shalt  }
0x7c: {  	_ =	shalt  }
0x7d: {  	_ =	shalt  }
0x7e: {  	_ =	shalt  }
0x7f: {  	_ =	shalt  }
0x80: {  	_ =	shalt  }
0x81: {  	_ =	shalt  }
0x82: {  	_ =	shalt  }
0x83: {  	_ =	shalt  }
0x84: {  	_ =	shalt  }
0x85: {  	_ =	shalt  }
0x86: {  	_ =	shalt  }
0x87: {  	_ =	shalt  }
.Lfunc_end0:
.L_simem_size_0:
called_computation_lowered:
.L_overlay_start_0:
0x88: {  	s2 =	sld [smem:$0x3FD9]  }
0x89: {  	s3 =	sld [smem:$0x3FFE];
	_ =	sdelay $0x1  }
0x8a: {  	s1 =	srdreg.scid  }
0x8b: {  	s0 =	sand.u32 $0x1, s1  }
0x8c: {  	s17 =	sshll.u32 s0, $0xA;
	s2 =	sadd.s32 s3, s2  }
0x8d: {  	s2 =	sadd.s32 s2, s17  }
0x8e: {  	[smem:$0x3FC5] =	sst s2  }
0x8f: {  	_ = 	snop  }
0x90: {  	s2 =	sld [smem:$0x3FD0];
	(tm) =	ssettm $0x1  }
0x91: {  	s18 =	sld [smem:$0x3FFB];
	_ =	sdelay $0x3  }
0x92: {  	_ =	strace s18  }
0x93: {  	s3 =	sld [smem:$0x3FFC];
	_ =	sdelay $0x3  }
0x94: {  	_ =	strace s3  }
0x95: {  	s3 =	sld [smem:$0x3FFD];
	_ =	sdelay $0x3  }
0x96: {  	_ =	strace s3  }
0x97: {  	_ =	strace $0x8FFFFFFF  }
0x98: {  	s19 =	sld [smem:$0x3FDB];
	_ =	sdelay $0x1  }
0x99: {  	s4 =	simm.s32 $_scs_section_size  }
0x9a: {  	s5 =	simm.s32 $_size__tile_overlayer_lowered;
	s6 =	simm.s32 $_tile_overlayer_lowered  }
0x9b: {  	s22 =	simm.s32 $0x1BFF;
	s21 =	sshll.u32 s6, $0x1;
	s3 =	sadd.s32 s4, s19  }
0x9c: {  	s7 =	simm.s32 $0x0;
	s20 =	sshll.u32 s5, $0x1;
	s5 =	sadd.s32 s21, s3  }
0x9d: {  	[timem:s7], [sflag:s22] =	dma.local [hbm:s5], s20  }
0x9e: {  	_ =	swait.ge [sflag:s22], s20  }
0x9f: {  	s4 =	ssub.s32 $0x0, s20;
	[sflag:s22] =	ssyncset.done $0x0  }
0xa0: {  	[sflag:s22] =	ssyncadd.s32 s4;
	_ =	sdelay $0x1  }
0xa1: {  	s23 =	simm.s32 $0x1B8B  }
0xa2: {  	_ =	swait.ge [sflag:s23], $0x1  }
0xa3: {  	[sflag:s23] =	ssyncset.done $0x0  }
0xa4: {  	s25 =	simm.s32 $0x1B8E;
	s24 =	sld [smem:$0x3FFE];
	[sflag:s23] =	ssyncadd.s32 $0xFFFFFFFF  }
0xa5: {  	s26 =	simm.s32 $execute0_lowered;
	[smem:$0x3FD2] =	sst s25  }
0xa6: {  	s5 =	sshll.u32 s26, $0x1;
	_ =	strace $0x80000046;
	[dreg:$0x1] =	wrdreg $0xFFFFFFFF  }
0xa7: {  	s28 =	simm.s32 $_size_execute0_lowered;
	s3 =	sadd.s32 s3, s5;
	[dreg:$0x0] =	wrdreg $0x0  }
0xa8: {  	s5 =	sshll.u32 s28, $0x1;
	[dreg:$0x2] =	wrdreg s3  }
0xa9: {  	[dreg:$0x3] =	wrdreg s5  }
0xaa: {  	[dreg:$0x4] =	wrdreg $0xC0  }
0xab: {  	_ =	task [dreg:s7], $0x5FFFF  }
0xac: {  	[dreg:$0x1] =	wrdreg $0xFFFFFFFF  }
0xad: {  	[dreg:$0x0] =	wrdreg $0x60  }
0xae: {  	[dreg:$0x2] =	wrdreg s24  }
0xaf: {  	[dreg:$0x3] =	wrdreg s2  }
0xb0: {  	[dreg:$0x4] =	wrdreg $0x9  }
0xb1: {  	_ =	task.clear_ibuf [dreg:s7], $0x5FFFF;
	_ =	strace $0x90000046  }
0xb2: {  	s29 =	simm.s32 $0x9;
	_ =	strace $0x80000048  }
0xb3: {  	_ =	swait.ge [sflag:s29], $0x1  }
0xb4: {  	[sflag:s29] =	ssyncadd.s32 $0xFFFFFFFF  }
0xb5: {  	_ =	strace $0x90000048  }
0xb6: {  	_ =	sfence  }
0xb7: {  	s30 =	sld [smem:$0x0];
	_ =	sdelay $0x2  }
0xb8: {  	s31 =	sshll.u32 s1, $0xD;
	s1 =	sshrl.u32 s1, $0x2  }
0xb9: {  	s3 =	sand.u32 $0x4000, s31;
	s1 =	sadd.s32 s1, s30  }
0xba: {  	s0 =	sor.u32 s3, s0;
	s1 =	sshll.u32 s1, $0x11  }
0xbb: {  	s0 =	sor.u32 s1, s0  }
0xbc: {  	s0 =	sadd.s32 $0x8F2B, s0  }
0xbd: {  	[sflag:s0] =	ssyncadd.remote.s32 $0x1  }
0xbe: {  	_ =	sfence.sel $0xFFFF  }
0xbf: {  	[dreg:$0x0] =	wrdreg $0xFFFFFFFF;
	(pc) =	sbr.abs _section_cstart, $3  }
0xc0: {  	[dreg:$0x1] =	wrdreg $0xFFFFFFFF  }
0xc1: {  	_ =	task.clear_ibuf [dreg:s7], $0x2FFFF;
	_ =	strace $0x9FFFFFFF  }
0xc2: {  	(tm) =	ssettm $0x7FFFFFFF  }
0xc3: {  	_ =	shalt  }
tec
execute0_lowered:
.L_overlay_start_1:
0x0: {  	(tag) =	ssettag $0x1  }
0x1: {  	s4 =	rddreg [dreg:$0x0];
	s1 =	srdreg.scid  }
0x2: {  	s0 =	stileid.u32;
	s5 =	rddreg [dreg:$0x1]  }
0x3: {  	s2 =	simm.s32 $0x0;
	s11 =	simm.s32 $0x100;
	s12 =	simm.s32 $0x9900  }
0x4: {  	s13 =	simm.s32 $0x180;
	s14 =	simm.s32 $0xD900;
	s15 =	simm.s32 $0x200  }
0x5: {  	s16 =	simm.s32 $0x11900;
	s17 =	simm.s32 $0x1;
	s18 =	simm.s32 $0x2  }
0x6: {  	s19 =	simm.s32 $0x3;
	s20 =	simm.s32 $0x4;
	s21 =	simm.s32 $0x5  }
0x7: {  	s22 =	simm.s32 $0x6;
	s23 =	simm.s32 $0x7;
	s24 =	simm.s32 $0x8  }
0x8: {  	s25 =	simm.s32 $0x9;
	s26 =	simm.s32 $0xA;
	s6 =	sand.u32 $0x1, s1  }
0x9: {  	s3 =	sshll.u32 s0, $0x1;
	[smem:$0x7FF] =	sst s2;
	s8 =	smul.u32 $0x32000, s0  }
0xa: {  	s3 =	sor.u32 s6, s3;
	s9 =	ssub.s32 $0x2, s6;
	s6 =	smul.u32 $0x19000, s6  }
0xb: {  	s28 =	simm.s32 $0x0;
	_ =	strace $0x80000047;
	s7 =	smul.u32 $0x1900, s3  }
.Ltmp0:
0xc: {  	s3 =	sadd.s32 $0x800, s4;
	s10 =	sshrl.u32 s9, $0x1;
	(pc) =	sbr.rel .LBB2_1-.Ltmp0, $4  }
0xd: {  	s5 =	sadd.s32 s8, s5;
	s8 =	simm.s32 $0x80;
	s31 =	ssub.s32 s9, s10  }
0xe: {  	s6 =	sadd.s32 s6, s5;
	s9 =	simm.s32 $0x1900;
	s7 =	sshrl.u32 s7, $0x3  }
0xf: {  	s10 =	simm.s32 $0x5900;
	s5 =	smax.u32 s31, $0x1;
	s4 =	sadd.s32 s7, s4  }
0x10: {  	s6 =	sadd.s32 $0x2000, s6;
	s7 =	simm.s32 $0xB;
	s4 =	sadd.s32 $0x220800, s4  }
.LBB2_4:
0x11: {  	_ =	swait.ge [sflag:s23], $0x4000  }
0x12: {  	[sflag:s23] =	ssyncset.done $0x0  }
0x13: {  	[sflag:s23] =	ssyncadd.s32 $0xFFFFC000  }
0x14: {  	_ =	swait.ge [sflag:s24], $0x4000  }
0x15: {  	[sflag:s24] =	ssyncset.done $0x0  }
0x16: {  	s28 =	sadd.s32 $0x1, s28;
	[sflag:s24] =	ssyncadd.s32 $0xFFFFC000  }
0x17: {  	p0 =	sne.s32 s28, s5;
	_ =	swait.ge [sflag:s25], $0x4000  }
.Ltmp1:
0x18: {  	[sflag:s25] =	ssyncset.done $0x0;
	(pc) =	sbr.rel @!p0 .LBB2_5-.Ltmp1, $4  }
0x19: {  	[sflag:s25] =	ssyncadd.s32 $0xFFFFC000  }
0x1a: {  	_ =	swait.ge [sflag:s26], $0x4000  }
0x1b: {  	[sflag:s26] =	ssyncset.done $0x0  }
0x1c: {  	[sflag:s26] =	ssyncadd.s32 $0xFFFFC000  }
.LBB2_1:
0x1d: {  	[tilespmem:s2], [sflag:$0xB] =	stream.linear.gather [hbm4b:s4+s2], $0x1900, $0x38;
	[tilespmem:$0x15900] =	vst v63  }
0x1e: {  	_ =	swait.ge [sflag:s7], $0x1900  }
0x1f: {  	[sflag:s7] =	ssyncset.done $0x0  }
0x20: {  	[sflag:s7] =	ssyncadd.s32 $0xFFFFE700  }
0x21: {  	[tilespmem:s9], [sflag:$0x1] =	stream.indirect.gather [hbm4b:s3+s8], $0x80, s2, s8, $0xb8;
	[tilespmem:$0x15900] =	vst v63  }
0x22: {  	_ = 	snop  }
0x23: {  	[tilespmem:s10], [sflag:$0x2] =	stream.indirect.gather [hbm4b:s3+s8], $0x80, s8, s8, $0xb8;
	[tilespmem:$0x15900] =	vst v63  }
0x24: {  	_ = 	snop  }
0x25: {  	[tilespmem:s12], [sflag:$0x3] =	stream.indirect.gather [hbm4b:s3+s8], $0x80, s11, s8, $0xb8;
	[tilespmem:$0x15900] =	vst v63  }
0x26: {  	_ = 	snop  }
0x27: {  	[tilespmem:s14], [sflag:$0x4] =	stream.indirect.gather [hbm4b:s3+s8], $0x80, s13, s8, $0xb8;
	[tilespmem:$0x15900] =	vst v63  }
0x28: {  	s29 =	smov.u32 s6;
	s30 =	simm.s32 $0x0  }
0x29: {  	[tilespmem:s16], [sflag:$0x5] =	stream.indirect.gather [hbm4b:s3+s8], $0x80, s15, s8, $0xb8;
	[tilespmem:$0x15900] =	vst v63  }
.LBB2_2:
0x2a: {  	_ =	swait.ge [sflag:s17], $0x4000  }
0x2b: {  	[sflag:s17] =	ssyncset.done $0x0  }
0x2c: {  	s31 =	sadd.s32 $0xFFFFE000, s29;
	[sflag:s17] =	ssyncadd.s32 $0xFFFFC000  }
0x2d: {  	[hbm4b:s31+s2] =	stream.linear.scatter [tilespmem:s9], [sflag:$0x6], $0x4000, $0x38;
	[tilespmem:$0x15900] =	vst v63  }
0x2e: {  	_ =	swait.ge [sflag:s18], $0x4000  }
0x2f: {  	[sflag:s18] =	ssyncset.done $0x0  }
0x30: {  	s1 =	sadd.s32 $0xFFFFE800, s29;
	[sflag:s18] =	ssyncadd.s32 $0xFFFFC000  }
0x31: {  	[hbm4b:s1+s2] =	stream.linear.scatter [tilespmem:s10], [sflag:$0x7], $0x4000, $0x38;
	[tilespmem:$0x15900] =	vst v63  }
0x32: {  	_ =	swait.ge [sflag:s19], $0x4000  }
0x33: {  	[sflag:s19] =	ssyncset.done $0x0  }
0x34: {  	s1 =	sadd.s32 $0xFFFFF000, s29;
	[sflag:s19] =	ssyncadd.s32 $0xFFFFC000  }
0x35: {  	[hbm4b:s1+s2] =	stream.linear.scatter [tilespmem:s12], [sflag:$0x8], $0x4000, $0x38;
	[tilespmem:$0x15900] =	vst v63  }
0x36: {  	_ =	swait.ge [sflag:s20], $0x4000  }
0x37: {  	[sflag:s20] =	ssyncset.done $0x0  }
0x38: {  	s1 =	sadd.s32 $0xFFFFF800, s29;
	[sflag:s20] =	ssyncadd.s32 $0xFFFFC000  }
0x39: {  	[hbm4b:s1+s2] =	stream.linear.scatter [tilespmem:s14], [sflag:$0x9], $0x4000, $0x38;
	[tilespmem:$0x15900] =	vst v63  }
0x3a: {  	_ =	swait.ge [sflag:s21], $0x4000  }
0x3b: {  	p0 =	seq.s32 s30, $0x5A00;
	[sflag:s21] =	ssyncset.done $0x0  }
.Ltmp2:
0x3c: {  	[sflag:s21] =	ssyncadd.s32 $0xFFFFC000;
	(pc) =	sbr.rel @p0 .LBB2_4-.Ltmp2, $4  }
0x3d: {  	[hbm4b:s29+s2] =	stream.linear.scatter [tilespmem:s16], [sflag:$0xA], $0x4000, $0x38;
	[tilespmem:$0x15900] =	vst v63  }
0x3e: {  	_ =	swait.ge [sflag:s22], $0x4000  }
0x3f: {  	[sflag:s22] =	ssyncset.done $0x0  }
0x40: {  	[sflag:s22] =	ssyncadd.s32 $0xFFFFC000  }
0x41: {  	s31 =	sshra.s32 s30, $0x2  }
0x42: {  	s1 =	sadd.s32 $0x280, s31  }
0x43: {  	[tilespmem:s9], [sflag:$0x1] =	stream.indirect.gather [hbm4b:s3+s8], $0x80, s1, s8, $0xb8;
	[tilespmem:$0x15900] =	vst v63  }
0x44: {  	_ =	swait.ge [sflag:s23], $0x4000  }
0x45: {  	[sflag:s23] =	ssyncset.done $0x0  }
0x46: {  	s1 =	sadd.s32 $0x300, s31;
	[sflag:s23] =	ssyncadd.s32 $0xFFFFC000  }
0x47: {  	[tilespmem:s10], [sflag:$0x2] =	stream.indirect.gather [hbm4b:s3+s8], $0x80, s1, s8, $0xb8;
	[tilespmem:$0x15900] =	vst v63  }
0x48: {  	_ =	swait.ge [sflag:s24], $0x4000  }
0x49: {  	[sflag:s24] =	ssyncset.done $0x0  }
0x4a: {  	s1 =	sadd.s32 $0x380, s31;
	[sflag:s24] =	ssyncadd.s32 $0xFFFFC000  }
0x4b: {  	[tilespmem:s12], [sflag:$0x3] =	stream.indirect.gather [hbm4b:s3+s8], $0x80, s1, s8, $0xb8;
	[tilespmem:$0x15900] =	vst v63  }
0x4c: {  	_ =	swait.ge [sflag:s25], $0x4000  }
0x4d: {  	[sflag:s25] =	ssyncset.done $0x0  }
0x4e: {  	s1 =	sadd.s32 $0x400, s31;
	[sflag:s25] =	ssyncadd.s32 $0xFFFFC000  }
0x4f: {  	[tilespmem:s14], [sflag:$0x4] =	stream.indirect.gather [hbm4b:s3+s8], $0x80, s1, s8, $0xb8;
	[tilespmem:$0x15900] =	vst v63  }
.Ltmp3:
0x50: {  	_ = 	snop;
	(pc) =	sbr.rel .LBB2_2-.Ltmp3, $4  }
0x51: {  	_ =	swait.ge [sflag:s26], $0x4000  }
0x52: {  	s30 =	sadd.s32 $0xA00, s30;
	[sflag:s26] =	ssyncset.done $0x0  }
0x53: {  	s29 =	sadd.s32 $0x2800, s29;
	s31 =	sadd.s32 $0x480, s31;
	[sflag:s26] =	ssyncadd.s32 $0xFFFFC000  }
0x54: {  	[tilespmem:s16], [sflag:$0x5] =	stream.indirect.gather [hbm4b:s3+s8], $0x80, s31, s8, $0xb8;
	[tilespmem:$0x15900] =	vst v63  }
.LBB2_5:
0x55: {  	_ =	sfence.sel $0x180000  }
0x56: {  	[bflag:$0x0] =	sbarrier.arrive $0xFFFF  }
0x57: {  	_ =	strace $0x90000047  }
0x58: {  	[bflag:$0x2] =	sbarrier.arrive $0xFFFF  }
0x59: {  	p0 =	sne.s32 s0, $0x0;
	s0 =	rddreg [dreg:$0x2]  }
0x5a: {  	s0 =	sadd.s32 @!p0 $0x100000, s0  }
0x5b: {  	[sflag:s0] =	ssyncadd.tile.s32 @!p0 $0x1;
	_ =	shalt  }
.Lfunc_end2:
_tile_overlayer_lowered:
.L_overlay_start_2:
0x5c: {  	(tag) =	ssettag $0x2  }
0x5d: {  	s0 =	rddreg [dreg:$0x0];
	s2 =	stileid.u32  }
0x5e: {  	s1 =	rddreg [dreg:$0x1];
	p0 =	sne.s32 s2, $0x0  }
0x5f: {  	s3 =	rddreg [dreg:$0x2];
	[bflag:$0x3] =	sbarrier.arrive $0xFFFF;
	s2 =	simm.s32 @!p0 $0x1C0B  }
0x60: {  	[timem:s3], [sflag:s2] =	dma.local @!p0 [hbm:s0], s1  }
0x61: {  	s0 =	simm.s32 @!p0 $0xB  }
0x62: {  	_ =	swait.ge @!p0 [sflag:s0], s1  }
0x63: {  	s1 =	ssub.s32 @!p0 $0x0, s1;
	[sflag:s0] =	ssyncset.done @!p0 $0x0  }
0x64: {  	[sflag:s0] =	ssyncadd.s32 @!p0 s1  }
0x65: {  	[bflag:$0x3] =	sbarrier.arrive $0xFFFF  }
0x66: {  	_ =	shalt  }

</sc_bundles>
